<compile_context>
chip_gen: v7x
topology: tpu7x:2x2x1
jax: 0.10.2.dev20260603
libtpu: 0.0.44.dev20260713+nightly
codegen_flags: <defaults>
</compile_context>

<pallas_src>
import functools

import jax
import jax.numpy as jnp
from jax import lax
from jax.experimental import pallas as pl
from jax.experimental.pallas import tpu as pltpu
from jax.experimental.pallas import tpu_sc as plsc

B, H, W_IN, C = 2, 192, 192, 96
OH, OW = 2 * H, 2 * W_IN
FLAT_OUT = OH * OW * C
T = B * H * W_IN * C
OTOT = B * FLAT_OUT

NCHUNK = 16
CH = OTOT // NCHUNK
NPASS = NCHUNK // 2
PT = T // 16
WIN = 8192
NWIN = PT // WIN
SL = CH // 16
ZB = 2048
DSTRIDE = CH // WIN

assert 16 * (2 * WIN + ZB) + CH <= 2_097_151

_mesh = plsc.VectorSubcoreMesh(core_axis_name="c", subcore_axis_name="s")


@functools.partial(
    pl.kernel,
    out_type=jax.ShapeDtypeStruct((OTOT,), jnp.float32),
    mesh=_mesh,
    scratch_types=[
        pltpu.VMEM((WIN,), jnp.int32),
        pltpu.VMEM((WIN,), jnp.float32),
        pltpu.VMEM((ZB,), jnp.float32),
        pltpu.VMEM_SHARED((CH,), jnp.float32),
        pltpu.SemaphoreType.DMA,
        pltpu.SemaphoreType.DMA,
    ],
)
def _scatter_kernel(idx_hbm, upd_hbm, out_hbm, sidx, sval, zbuf, acc,
                    semi, semv):
    c = lax.axis_index("c")
    s = lax.axis_index("s")
    boff = jnp.where(s < 8, jnp.int32(0), jnp.int32(FLAT_OUT))
    lanes = lax.iota(jnp.int32, 16)
    zero16f = jnp.zeros((16,), jnp.float32)

    def init(i, carry):
        zbuf[pl.ds(i * 16, 16)] = zero16f
        return carry
    lax.fori_loop(0, ZB // 16, init, 0)

    def one_pass(p, carry):
        lo = (p * 2 + c) * CH

        def zero_slice(k, kcarry):
            pltpu.sync_copy(zbuf, acc.at[pl.ds(s * SL + k * ZB, ZB)])
            return kcarry
        lax.fori_loop(0, SL // ZB, zero_slice, 0)
        plsc.subcore_barrier()

        bl = boff - lo

        dummy0 = s * SL + lanes * 13
        dstep = jnp.full((16,), 16 * 13, jnp.int32)

        def one_window(w, wcarry):
            base = s * PT + w * WIN
            di = pltpu.async_copy(idx_hbm.at[pl.ds(base, WIN)], sidx, semi)
            dv = pltpu.async_copy(upd_hbm.at[pl.ds(base, WIN)], sval, semv)
            di.wait()
            dv.wait()

            def one_vec(i, dummy):
                u = sidx[pl.ds(i * 16, 16)] + bl
                v = sval[pl.ds(i * 16, 16)]
                m = lax.bitcast_convert_type(u, jnp.uint32) < jnp.uint32(CH)
                sidx[pl.ds(i * 16, 16)] = jnp.where(m, u, dummy)
                sval[pl.ds(i * 16, 16)] = jnp.where(m, v, jnp.float32(0.0))
                return dummy + dstep
            lax.fori_loop(0, WIN // 16, one_vec, dummy0)
            pltpu.sync_copy(sval, acc.at[sidx], add=True)
            return wcarry
        lax.fori_loop(0, NWIN, one_window, 0)
        plsc.subcore_barrier()
        pltpu.sync_copy(acc.at[pl.ds(s * SL, SL)],
                        out_hbm.at[pl.ds(lo + s * SL, SL)])
        return carry
    lax.fori_loop(0, NPASS, one_pass, 0)


def kernel(updates, mask):
    idx_flat = mask.reshape(-1).astype(jnp.int32)
    upd_flat = updates.reshape(-1)
    out = _scatter_kernel(idx_flat, upd_flat)
    return out.reshape(B, OH, OW, C)

# --- scband reference (transcript-rebuilt; emitter-appended) ---
"""Pipeline reference for scband-max-unpooling2-d-62259845923142 (READ-ONLY COPY).

The authoritative reference and input builder live on the scoring server;
editing this copy changes nothing except your own understanding.
"""

import jax, jax.numpy as jnp
import numpy as np

SIZE = (2, 2)

def setup_inputs(seed: int = 0) -> dict:
    key = jax.random.key(seed)
    k1, k2 = jax.random.split(key)
    B, H, W, C = 2, 192, 192, 96
    out_h, out_w = H * SIZE[0], W * SIZE[1]
    flat_out = out_h * out_w * C
    updates = jax.random.normal(k1, (B, H, W, C), dtype=jnp.float32)
    mask = jax.random.randint(k2, (B, H, W, C), 0, flat_out, dtype=jnp.int32)
    return {"updates": updates, "mask": mask}

def reference(updates, mask):
    B, H, W, C = updates.shape
    out_h = H * SIZE[0]
    out_w = W * SIZE[1]
    flat_out = out_h * out_w * C
    mask = mask.astype(jnp.int32)
    b = jnp.broadcast_to(jnp.arange(B, dtype=jnp.int32).reshape(B, 1, 1, 1), mask.shape)
    flat_b = b.reshape(-1)
    flat_ind = mask.reshape(-1)
    flat_vals = updates.reshape(-1)
    # tf.scatter_nd sums contributions at duplicate indices -> use .at[...].add
    ret = jnp.zeros((B, flat_out), dtype=updates.dtype).at[flat_b, flat_ind].add(flat_vals)
    return ret.reshape(B, out_h, out_w, C)

if __name__ == "__main__":
    import jax
    _d = setup_inputs()
    print(jax.jit(kernel)(*tuple(_d.values())))

</pallas_src>

<mosaic_0001>
#map = affine_map<(d0, d1) -> (0)>
module attributes {stable_mosaic.version = 14 : i64} {
  func.func @_scatter_kernel(%arg0: i32, %arg1: i32, %arg2: memref<7077888xi32, #tpu.memory_space<hbm>>, %arg3: memref<7077888xf32, #tpu.memory_space<hbm>>, %arg4: memref<28311552xf32, #tpu.memory_space<hbm>>, %arg5: memref<8192xi32, #tpu.memory_space<vmem>>, %arg6: memref<8192xf32, #tpu.memory_space<vmem>>, %arg7: memref<2048xf32, #tpu.memory_space<vmem>>, %arg8: memref<1769472xf32, #tpu.memory_space<vmem_shared>>, %arg9: memref<!tpu.dma_semaphore, #tpu.memory_space<semaphore_mem>>, %arg10: memref<!tpu.dma_semaphore, #tpu.memory_space<semaphore_mem>>) attributes {dimension_semantics = [#tpu.dimension_semantics<core_parallel>, #tpu.dimension_semantics<subcore_parallel>], iteration_bounds = array<i64: 2, 16>, scalar_prefetch = 0 : i64, scratch_operands = 6 : i64, tpu.core_type = #tpu.core_type<sc_vector_subcore>, window_params = [{transform_indices = #map}, {transform_indices = #map}, {transform_indices = #map}]} {
    %lt3A = arith.constant 8 : i32
    %lt3A_0 = arith.cmpi slt, %arg1, %lt3A : i32
    %jit3A = arith.constant 0 : i32
    %jit3A_1 = arith.constant 14155776 : i32
    %select_n3A = arith.select %lt3A_0, %jit3A, %jit3A_1 : i32
    %iota3A = tpu.iota {dimensions = array<i32: 0>} : vector<16xi32>
    %broadcast_in_dim3A = arith.constant 0.000000e+00 : f32
    %broadcast_in_dim3A_2 = vector.broadcast %broadcast_in_dim3A : f32 to vector<16xf32>
    %scan3A = arith.constant 0 : i32
    %scan3A_3 = arith.constant 0 : i32
    %scan3A_4 = arith.constant 128 : i32
    %scan3A_5 = arith.addi %scan3A_3, %scan3A_4 : i32
    %scan3A_6 = arith.constant 1 : i32
    scf.for %scan3A_14 = %scan3A_3 to %scan3A_5 step %scan3A_6  : i32 {
      %mul3A = arith.constant 16 : i32
      %mul3A_15 = arith.muli %scan3A_14, %mul3A : i32
      %swap3A = arith.index_cast %mul3A_15 : i32 to index
      %swap3A_16 = tpu.vector_load %arg7[%swap3A] {strides = array<i32>} : memref<2048xf32, #tpu.memory_space<vmem>>, vector<16xf32>,
      %swap3A_17 = vector.shape_cast %swap3A_16 : vector<16xf32> to vector<16xf32>
      %swap3A_18 = vector.shape_cast %broadcast_in_dim3A_2 : vector<16xf32> to vector<16xf32>
      tpu.vector_store %arg7[%swap3A], %swap3A_18 {strides = array<i32>} : memref<2048xf32, #tpu.memory_space<vmem>>, vector<16xf32>,
    }
    %scan3A_7 = arith.constant 128 : i32
    %scan3A_8 = arith.constant 0 : i32
    %scan3A_9 = arith.constant 0 : i32
    %scan3A_10 = arith.constant 8 : i32
    %scan3A_11 = arith.addi %scan3A_9, %scan3A_10 : i32
    %scan3A_12 = arith.constant 1 : i32
    scf.for %scan3A_14 = %scan3A_9 to %scan3A_11 step %scan3A_12  : i32 {
      %mul3A = arith.constant 2 : i32
      %mul3A_15 = arith.muli %scan3A_14, %mul3A : i32
      %add3A = arith.addi %mul3A_15, %arg0 : i32
      %mul3A_16 = arith.constant 1769472 : i32
      %mul3A_17 = arith.muli %add3A, %mul3A_16 : i32
      %scan3A_18 = arith.constant 0 : i32
      %scan3A_19 = arith.constant 0 : i32
      %scan3A_20 = arith.constant 54 : i32
      %scan3A_21 = arith.addi %scan3A_19, %scan3A_20 : i32
      %scan3A_22 = arith.constant 1 : i32
      scf.for %scan3A_45 = %scan3A_19 to %scan3A_21 step %scan3A_22  : i32 {
        %mul3A_46 = arith.constant 110592 : i32
        %mul3A_47 = arith.muli %arg1, %mul3A_46 : i32
        %mul3A_48 = arith.constant 2048 : i32
        %mul3A_49 = arith.muli %scan3A_45, %mul3A_48 : i32
        %add3A_50 = arith.addi %mul3A_47, %mul3A_49 : i32
        "tpu.region"() ({
          %run_scoped3A = tpu.sem_alloc : memref<!tpu.dma_semaphore, #tpu.memory_space<semaphore_mem>>
          %dma_start3A = tpu.memref_slice %arg8[%add3A_50] : memref<1769472xf32, #tpu.memory_space<vmem_shared>> -> memref<2048xf32, #tpu.memory_space<vmem_shared>>
          %dma_start3A_51 = tpu.memref_slice %arg8[%add3A_50] : memref<1769472xf32, #tpu.memory_space<vmem_shared>> -> memref<2048xf32, #tpu.memory_space<vmem_shared>>
          tpu.enqueue_dma source(%arg7 : memref<2048xf32, #tpu.memory_space<vmem>>) target(%dma_start3A_51 : memref<2048xf32, #tpu.memory_space<vmem_shared>>) target_semaphore(%run_scoped3A : memref<!tpu.dma_semaphore, #tpu.memory_space<semaphore_mem>>)
          %dma_wait3A = tpu.memref_slice %arg8[%add3A_50] : memref<1769472xf32, #tpu.memory_space<vmem_shared>> -> memref<2048xf32, #tpu.memory_space<vmem_shared>>
          %dma_wait3A_52 = tpu.memref_slice %arg8[%add3A_50] : memref<1769472xf32, #tpu.memory_space<vmem_shared>> -> memref<2048xf32, #tpu.memory_space<vmem_shared>>
          tpu.wait_dma2 semaphore(%run_scoped3A : memref<!tpu.dma_semaphore, #tpu.memory_space<semaphore_mem>>) src(%arg7 : memref<2048xf32, #tpu.memory_space<vmem>>) dst(%dma_wait3A_52 : memref<2048xf32, #tpu.memory_space<vmem_shared>>)
          tpu.yield
        }) : () -> ()
      }
      %scan3A_23 = arith.constant 54 : i32
      %barrier3A = arith.constant 0 : index
      tpu.barrier barrier_id(%barrier3A)
      %sub3A = arith.subi %select_n3A, %mul3A_17 : i32
      %mul3A_24 = arith.constant 110592 : i32
      %mul3A_25 = arith.muli %arg1, %mul3A_24 : i32
      %mul3A_26 = arith.constant 13 : i32
      %mul3A_27 = vector.broadcast %mul3A_26 : i32 to vector<16xi32>
      %mul3A_28 = arith.muli %iota3A, %mul3A_27 : vector<16xi32>
      %add3A_29 = vector.broadcast %mul3A_25 : i32 to vector<16xi32>
      %add3A_30 = arith.addi %add3A_29, %mul3A_28 : vector<16xi32>
      %broadcast_in_dim3A_31 = arith.constant 208 : i32
      %broadcast_in_dim3A_32 = vector.broadcast %broadcast_in_dim3A_31 : i32 to vector<16xi32>
      %scan3A_33 = arith.constant 0 : i32
      %scan3A_34 = arith.constant 0 : i32
      %scan3A_35 = arith.constant 54 : i32
      %scan3A_36 = arith.addi %scan3A_34, %scan3A_35 : i32
      %scan3A_37 = arith.constant 1 : i32
      scf.for %scan3A_45 = %scan3A_34 to %scan3A_36 step %scan3A_37  : i32 {
        %mul3A_46 = arith.constant 442368 : i32
        %mul3A_47 = arith.muli %arg1, %mul3A_46 : i32
        %mul3A_48 = arith.constant 8192 : i32
        %mul3A_49 = arith.muli %scan3A_45, %mul3A_48 : i32
        %add3A_50 = arith.addi %mul3A_47, %mul3A_49 : i32
        %dma_start3A = tpu.memref_slice %arg2[%add3A_50] : memref<7077888xi32, #tpu.memory_space<hbm>> -> memref<8192xi32, #tpu.memory_space<hbm>>
        %dma_start3A_51 = tpu.memref_slice %arg2[%add3A_50] : memref<7077888xi32, #tpu.memory_space<hbm>> -> memref<8192xi32, #tpu.memory_space<hbm>>
        tpu.enqueue_dma source(%dma_start3A_51 : memref<8192xi32, #tpu.memory_space<hbm>>) target(%arg5 : memref<8192xi32, #tpu.memory_space<vmem>>) target_semaphore(%arg9 : memref<!tpu.dma_semaphore, #tpu.memory_space<semaphore_mem>>)
        %dma_start3A_52 = tpu.memref_slice %arg3[%add3A_50] : memref<7077888xf32, #tpu.memory_space<hbm>> -> memref<8192xf32, #tpu.memory_space<hbm>>
        %dma_start3A_53 = tpu.memref_slice %arg3[%add3A_50] : memref<7077888xf32, #tpu.memory_space<hbm>> -> memref<8192xf32, #tpu.memory_space<hbm>>
        tpu.enqueue_dma source(%dma_start3A_53 : memref<8192xf32, #tpu.memory_space<hbm>>) target(%arg6 : memref<8192xf32, #tpu.memory_space<vmem>>) target_semaphore(%arg10 : memref<!tpu.dma_semaphore, #tpu.memory_space<semaphore_mem>>)
        %dma_wait3A = tpu.memref_slice %arg2[%add3A_50] : memref<7077888xi32, #tpu.memory_space<hbm>> -> memref<8192xi32, #tpu.memory_space<hbm>>
        %dma_wait3A_54 = tpu.memref_slice %arg2[%add3A_50] : memref<7077888xi32, #tpu.memory_space<hbm>> -> memref<8192xi32, #tpu.memory_space<hbm>>
        tpu.wait_dma2 semaphore(%arg9 : memref<!tpu.dma_semaphore, #tpu.memory_space<semaphore_mem>>) src(%dma_wait3A_54 : memref<8192xi32, #tpu.memory_space<hbm>>) dst(%arg5 : memref<8192xi32, #tpu.memory_space<vmem>>)
        %dma_wait3A_55 = tpu.memref_slice %arg3[%add3A_50] : memref<7077888xf32, #tpu.memory_space<hbm>> -> memref<8192xf32, #tpu.memory_space<hbm>>
        %dma_wait3A_56 = tpu.memref_slice %arg3[%add3A_50] : memref<7077888xf32, #tpu.memory_space<hbm>> -> memref<8192xf32, #tpu.memory_space<hbm>>
        tpu.wait_dma2 semaphore(%arg10 : memref<!tpu.dma_semaphore, #tpu.memory_space<semaphore_mem>>) src(%dma_wait3A_56 : memref<8192xf32, #tpu.memory_space<hbm>>) dst(%arg6 : memref<8192xf32, #tpu.memory_space<vmem>>)
        %scan3A_57 = arith.constant 0 : i32
        %scan3A_58 = arith.constant 512 : i32
        %scan3A_59 = arith.addi %scan3A_57, %scan3A_58 : i32
        %scan3A_60 = arith.constant 1 : i32
        %scan3A_61 = scf.for %scan3A_63 = %scan3A_57 to %scan3A_59 step %scan3A_60 iter_args(%scan3A_64 = %add3A_30) -> (vector<16xi32>)  : i32 {
          %mul3A_65 = arith.constant 16 : i32
          %mul3A_66 = arith.muli %scan3A_63, %mul3A_65 : i32
          %get3A = arith.index_cast %mul3A_66 : i32 to index
          %get3A_67 = tpu.vector_load %arg5[%get3A] {strides = array<i32>} : memref<8192xi32, #tpu.memory_space<vmem>>, vector<16xi32>,
          %get3A_68 = vector.shape_cast %get3A_67 : vector<16xi32> to vector<16xi32>
          %add3A_69 = vector.broadcast %sub3A : i32 to vector<16xi32>
          %add3A_70 = arith.addi %get3A_68, %add3A_69 : vector<16xi32>
          %mul3A_71 = arith.constant 16 : i32
          %mul3A_72 = arith.muli %scan3A_63, %mul3A_71 : i32
          %get3A_73 = arith.index_cast %mul3A_72 : i32 to index
          %get3A_74 = tpu.vector_load %arg6[%get3A_73] {strides = array<i32>} : memref<8192xf32, #tpu.memory_space<vmem>>, vector<16xf32>,
          %get3A_75 = vector.shape_cast %get3A_74 : vector<16xf32> to vector<16xf32>
          %bitcast_convert_type3A = tpu.bitcast %add3A_70 : vector<16xi32> -> vector<16xi32>
          %lt3A_76 = arith.constant 1769472 : i32
          %lt3A_77 = vector.broadcast %lt3A_76 : i32 to vector<16xi32>
          %lt3A_78 = arith.cmpi ult, %bitcast_convert_type3A, %lt3A_77 : vector<16xi32>
          %select_n3A_79 = arith.select %lt3A_78, %add3A_70, %scan3A_64 : vector<16xi1>, vector<16xi32>
          %mul3A_80 = arith.constant 16 : i32
          %mul3A_81 = arith.muli %scan3A_63, %mul3A_80 : i32
          %swap3A = arith.index_cast %mul3A_81 : i32 to index
          %swap3A_82 = tpu.vector_load %arg5[%swap3A] {strides = array<i32>} : memref<8192xi32, #tpu.memory_space<vmem>>, vector<16xi32>,
          %swap3A_83 = vector.shape_cast %swap3A_82 : vector<16xi32> to vector<16xi32>
          %swap3A_84 = vector.shape_cast %select_n3A_79 : vector<16xi32> to vector<16xi32>
          tpu.vector_store %arg5[%swap3A], %swap3A_84 {strides = array<i32>} : memref<8192xi32, #tpu.memory_space<vmem>>, vector<16xi32>,
          %jit3A_85 = arith.constant 0.000000e+00 : f32
          %broadcast_in_dim3A_86 = vector.broadcast %jit3A_85 : f32 to vector<16xf32>
          %select_n3A_87 = arith.select %lt3A_78, %get3A_75, %broadcast_in_dim3A_86 : vector<16xi1>, vector<16xf32>
          %mul3A_88 = arith.constant 16 : i32
          %mul3A_89 = arith.muli %scan3A_63, %mul3A_88 : i32
          %swap3A_90 = arith.index_cast %mul3A_89 : i32 to index
          %swap3A_91 = tpu.vector_load %arg6[%swap3A_90] {strides = array<i32>} : memref<8192xf32, #tpu.memory_space<vmem>>, vector<16xf32>,
          %swap3A_92 = vector.shape_cast %swap3A_91 : vector<16xf32> to vector<16xf32>
          %swap3A_93 = vector.shape_cast %select_n3A_87 : vector<16xf32> to vector<16xf32>
          tpu.vector_store %arg6[%swap3A_90], %swap3A_93 {strides = array<i32>} : memref<8192xf32, #tpu.memory_space<vmem>>, vector<16xf32>,
          %add3A_94 = arith.addi %scan3A_64, %broadcast_in_dim3A_32 : vector<16xi32>
          scf.yield %add3A_94 : vector<16xi32>
        }
        %scan3A_62 = arith.constant 512 : i32
        "tpu.region"() ({
          %run_scoped3A = tpu.sem_alloc : memref<!tpu.dma_semaphore, #tpu.memory_space<semaphore_mem>>
          %dma_start3A_63 = arith.constant 0 : i32
          %dma_start3A_64 = tpu.memref_slice %arg8[%dma_start3A_63] : memref<1769472xf32, #tpu.memory_space<vmem_shared>> -> memref<1769472xf32, #tpu.memory_space<vmem_shared>>
          tpu.enqueue_indirect_dma source(%arg6 : memref<8192xf32, #tpu.memory_space<vmem>>) target(%dma_start3A_64 : memref<1769472xf32, #tpu.memory_space<vmem_shared>>) offsets(%arg5 : memref<8192xi32, #tpu.memory_space<vmem>>) semaphore(%run_scoped3A : memref<!tpu.dma_semaphore, #tpu.memory_space<semaphore_mem>>) {add = true}
          %dma_wait3A_65 = arith.constant 0 : i32
          %dma_wait3A_66 = tpu.memref_slice %arg8[%dma_wait3A_65] : memref<1769472xf32, #tpu.memory_space<vmem_shared>> -> memref<1769472xf32, #tpu.memory_space<vmem_shared>>
          tpu.wait_indirect_dma semaphore(%run_scoped3A : memref<!tpu.dma_semaphore, #tpu.memory_space<semaphore_mem>>) src(%arg6 : memref<8192xf32, #tpu.memory_space<vmem>>) dst(%dma_wait3A_66 : memref<1769472xf32, #tpu.memory_space<vmem_shared>>)
          tpu.yield
        }) : () -> ()
      }
      %scan3A_38 = arith.constant 54 : i32
      %barrier3A_39 = arith.constant 0 : index
      tpu.barrier barrier_id(%barrier3A_39)
      %mul3A_40 = arith.constant 110592 : i32
      %mul3A_41 = arith.muli %arg1, %mul3A_40 : i32
      %mul3A_42 = arith.constant 110592 : i32
      %mul3A_43 = arith.muli %arg1, %mul3A_42 : i32
      %add3A_44 = arith.addi %mul3A_17, %mul3A_43 : i32
      "tpu.region"() ({
        %run_scoped3A = tpu.sem_alloc : memref<!tpu.dma_semaphore, #tpu.memory_space<semaphore_mem>>
        %dma_start3A = tpu.memref_slice %arg4[%add3A_44] : memref<28311552xf32, #tpu.memory_space<hbm>> -> memref<110592xf32, #tpu.memory_space<hbm>>
        %dma_start3A_45 = tpu.memref_slice %arg8[%mul3A_41] : memref<1769472xf32, #tpu.memory_space<vmem_shared>> -> memref<110592xf32, #tpu.memory_space<vmem_shared>>
        tpu.enqueue_dma source(%dma_start3A_45 : memref<110592xf32, #tpu.memory_space<vmem_shared>>) target(%dma_start3A : memref<110592xf32, #tpu.memory_space<hbm>>) target_semaphore(%run_scoped3A : memref<!tpu.dma_semaphore, #tpu.memory_space<semaphore_mem>>)
        %dma_wait3A = tpu.memref_slice %arg4[%add3A_44] : memref<28311552xf32, #tpu.memory_space<hbm>> -> memref<110592xf32, #tpu.memory_space<hbm>>
        %dma_wait3A_46 = tpu.memref_slice %arg8[%mul3A_41] : memref<1769472xf32, #tpu.memory_space<vmem_shared>> -> memref<110592xf32, #tpu.memory_space<vmem_shared>>
        tpu.wait_dma2 semaphore(%run_scoped3A : memref<!tpu.dma_semaphore, #tpu.memory_space<semaphore_mem>>) src(%dma_wait3A_46 : memref<110592xf32, #tpu.memory_space<vmem_shared>>) dst(%dma_wait3A : memref<110592xf32, #tpu.memory_space<hbm>>)
        tpu.yield
      }) : () -> ()
    }
    %scan3A_13 = arith.constant 8 : i32
    return
  }
}

</mosaic_0001>

<sc_bundles>
// kernel: kernel.3.cloned.1.call-start
scs
__scs_entry_jumppad:
0x0: {  	(pc) =	sbr.rel $0x88, $3  }
0x1: {  	(tag) =	ssettag $0x0;
	lr =	simm.s32 $0x1  }
0x2: {  	[smem:$0x3F9F] =	sst lr;
	_ =	strace $0xD0000000  }
0x3: {  	_ = 	snop  }
0x4: {  	_ = 	snop  }
0x5: {  	_ = 	snop  }
0x6: {  	_ = 	snop  }
0x7: {  	_ = 	snop  }
__scs_overlays_trampoline_lowered:
0x8: {  	[smem:$0x3FAE] =	sst s0  }
0x9: {  	[smem:$0x3FAF] =	sst s1  }
0xa: {  	[smem:$0x3FB0] =	sst s2  }
0xb: {  	[smem:$0x3FB1] =	sst s3  }
0xc: {  	[smem:$0x3FB2] =	sst s4  }
0xd: {  	[smem:$0x3FB3] =	sst s5  }
0xe: {  	[smem:$0x3FB4] =	sst s6  }
0xf: {  	[smem:$0x3FB5] =	sst s7  }
0x10: {  	[smem:$0x3FB6] =	sst s8  }
0x11: {  	[smem:$0x3FB7] =	sst s9;
	s0 =	simm.s32 @!p0 $0x0  }
0x12: {  	s1 =	sld [smem:$0x3F9D];
	s0 =	simm.s32 @p0 $0x1  }
0x13: {  	[smem:$0x3FB8] =	sst s0;
	s0 =	simm.s32 @!p1 $0x0  }
0x14: {  	s2 =	sld [smem:$0x3F9C];
	s0 =	simm.s32 @p1 $0x1  }
0x15: {  	[smem:$0x3FB9] =	sst s0;
	s0 =	simm.s32 @!p2 $0x0  }
0x16: {  	s3 =	sld [smem:$0x3FDB];
	s0 =	simm.s32 @p2 $0x1  }
0x17: {  	s4 =	simm.s32 $0x1BF5;
	[smem:$0x3FBB] =	sst s0  }
0x18: {  	s0 =	sld [smem:$0x3F9E];
	_ =	swait.ge [sflag:s4], $0x0  }
0x19: {  	s7 =	sld [smem:$0x3F9F]  }
0x1a: {  	s8 =	sadd.s32 $0xFFFFE003, lr  }
0x1b: {  	s9 =	sadd.s32 $0xFFFFFEF7, lr;
	s5 =	simm.s32 $0xFFFFFFFF;
	p2 =	slt.u32 s8, $0xFFFFF086  }
0x1c: {  	p1 =	slt.u32 s9, $0xF7A;
	s5 =	simm.s32 @!p2 $0x0  }
0x1d: {  	s5 =	simm.s32 @p1 $0x1;
	p0 =	seq.s32 s7, s2  }
0x1e: {  	s7 =	smul.u32 @!p0 $0xF7A, s2;
	p2 =	seq.s32 @!p0 s5, $0x0  }
0x1f: {  	s9 =	smul.u32 $0xF7A, s1;
	s8 =	simm.s32 @!p0 $0x1BF5;
	p2 =	por !p2, p0  }
0x20: {  	[sflag:s8] =	ssyncset.s32 @!p0 $0xFFFFF086;
	s6 =	sadd.s32 @!p0 s3, s7;
	s7 =	simm.s32 @!p0 $0x108  }
0x21: {  	s3 =	sadd.s32 s3, s9;
	s6 =	sadd.s32 @!p0 $0x88, s6;
	s7 =	simm.s32 @p2 $0x1082  }
0x22: {  	[simem:s7], [sflag:s8] =	dma.local @!p0 [hbm:s6], $0xF7A  }
0x23: {  	s9 =	sor.u32 $0xD0000000, s2;
	s6 =	simm.s32 $0x108;
	_ =	swait.ge @!p0 [sflag:s8], $0x0  }
0x24: {  	s3 =	sadd.s32 $0x88, s3;
	s6 =	simm.s32 @!p1 $0x1082;
	[sflag:s4] =	ssyncset.s32 $0xFFFFF086  }
0x25: {  	[simem:s6], [sflag:s4] =	dma.local [hbm:s3], $0xF7A  }
0x26: {  	[smem:$0x3F9F] =	sst s1;
	(tag) =	ssettag s2;
	_ =	strace s9  }
0x27: {  	s1 =	sld [smem:$0x3FAF]  }
0x28: {  	s2 =	sld [smem:$0x3FB0]  }
0x29: {  	s4 =	sld [smem:$0x3FB2]  }
0x2a: {  	p0 =	seq.s32 s5, $0x0;
	s5 =	sld [smem:$0x3FB3]  }
0x2b: {  	s6 =	sld [smem:$0x3FB4]  }
0x2c: {  	s7 =	sld [smem:$0x3FB5]  }
0x2d: {  	s3 =	simm.s32 $0x108;
	s8 =	sld [smem:$0x3FB6]  }
0x2e: {  	s3 =	simm.s32 @!p0 $0x1082;
	s9 =	sld [smem:$0x3FB7]  }
0x2f: {  	lr =	sadd.s32 s0, s3;
	s0 =	sld [smem:$0x3FAE]  }
0x30: {  	s3 =	sld [smem:$0x3FB1]  }
0x31: {  	[smem:$0x3FBA] =	sst s10  }
0x32: {  	s10 =	sld [smem:$0x3FB8];
	_ =	sdelay $0x3  }
0x33: {  	p0 =	seq.s32 s10, $0x1;
	s10 =	sld [smem:$0x3FBA];
	_ =	sdelay $0x3  }
0x34: {  	[smem:$0x3FBA] =	sst s10  }
0x35: {  	s10 =	sld [smem:$0x3FB9];
	_ =	sdelay $0x3  }
0x36: {  	p1 =	seq.s32 s10, $0x1;
	s10 =	sld [smem:$0x3FBA];
	_ =	sdelay $0x3  }
0x37: {  	[smem:$0x3FBA] =	sst s10  }
0x38: {  	s10 =	sld [smem:$0x3FBB]  }
0x39: {  	_ = 	snop;
	(pc) =	sbr.ind lr, $3  }
0x3a: {  	_ = 	snop  }
0x3b: {  	_ = 	snop  }
0x3c: {  	p2 =	seq.s32 s10, $0x1;
	s10 =	sld [smem:$0x3FBA]  }
0x3d: {  	_ =	shalt  }
0x3e: {  	_ =	shalt  }
0x3f: {  	_ =	shalt  }
0x40: {  	_ =	shalt  }
0x41: {  	_ =	shalt  }
0x42: {  	_ =	shalt  }
0x43: {  	_ =	shalt  }
0x44: {  	_ =	shalt  }
0x45: {  	_ =	shalt  }
0x46: {  	_ =	shalt  }
0x47: {  	_ =	shalt  }
0x48: {  	_ =	shalt  }
0x49: {  	_ =	shalt  }
0x4a: {  	_ =	shalt  }
0x4b: {  	_ =	shalt  }
0x4c: {  	_ =	shalt  }
0x4d: {  	_ =	shalt  }
0x4e: {  	_ =	shalt  }
0x4f: {  	_ =	shalt  }
0x50: {  	_ =	shalt  }
0x51: {  	_ =	shalt  }
0x52: {  	_ =	shalt  }
0x53: {  	_ =	shalt  }
0x54: {  	_ =	shalt  }
0x55: {  	_ =	shalt  }
0x56: {  	_ =	shalt  }
0x57: {  	_ =	shalt  }
0x58: {  	_ =	shalt  }
0x59: {  	_ =	shalt  }
0x5a: {  	_ =	shalt  }
0x5b: {  	_ =	shalt  }
0x5c: {  	_ =	shalt  }
0x5d: {  	_ =	shalt  }
0x5e: {  	_ =	shalt  }
0x5f: {  	_ =	shalt  }
0x60: {  	_ =	shalt  }
0x61: {  	_ =	shalt  }
0x62: {  	_ =	shalt  }
0x63: {  	_ =	shalt  }
0x64: {  	_ =	shalt  }
0x65: {  	_ =	shalt  }
0x66: {  	_ =	shalt  }
0x67: {  	_ =	shalt  }
0x68: {  	_ =	shalt  }
0x69: {  	_ =	shalt  }
0x6a: {  	_ =	shalt  }
0x6b: {  	_ =	shalt  }
0x6c: {  	_ =	shalt  }
0x6d: {  	_ =	shalt  }
0x6e: {  	_ =	shalt  }
0x6f: {  	_ =	shalt  }
0x70: {  	_ =	shalt  }
0x71: {  	_ =	shalt  }
0x72: {  	_ =	shalt  }
0x73: {  	_ =	shalt  }
0x74: {  	_ =	shalt  }
0x75: {  	_ =	shalt  }
0x76: {  	_ =	shalt  }
0x77: {  	_ =	shalt  }
0x78: {  	_ =	shalt  }
0x79: {  	_ =	shalt  }
0x7a: {  	_ =	shalt  }
0x7b: {  	_ =	shalt  }
0x7c: {  	_ =	shalt  }
0x7d: {  	_ =	shalt  }
0x7e: {  	_ =	shalt  }
0x7f: {  	_ =	shalt  }
0x80: {  	_ =	shalt  }
0x81: {  	_ =	shalt  }
0x82: {  	_ =	shalt  }
0x83: {  	_ =	shalt  }
0x84: {  	_ =	shalt  }
0x85: {  	_ =	shalt  }
0x86: {  	_ =	shalt  }
0x87: {  	_ =	shalt  }
.Lfunc_end0:
.L_simem_size_0:
called_computation.1_lowered:
.L_overlay_start_0:
0x88: {  	s2 =	sld [smem:$0x3FD9]  }
0x89: {  	s3 =	sld [smem:$0x3FFE];
	_ =	sdelay $0x1  }
0x8a: {  	s1 =	srdreg.scid  }
0x8b: {  	s0 =	sand.u32 $0x1, s1  }
0x8c: {  	s17 =	sshll.u32 s0, $0xA;
	s2 =	sadd.s32 s3, s2  }
0x8d: {  	s2 =	sadd.s32 s2, s17  }
0x8e: {  	[smem:$0x3FC6] =	sst s2  }
0x8f: {  	_ = 	snop  }
0x90: {  	s2 =	sld [smem:$0x3FD0];
	(tm) =	ssettm $0x1  }
0x91: {  	s18 =	sld [smem:$0x3FFB];
	_ =	sdelay $0x3  }
0x92: {  	_ =	strace s18  }
0x93: {  	s3 =	sld [smem:$0x3FFC];
	_ =	sdelay $0x3  }
0x94: {  	_ =	strace s3  }
0x95: {  	s3 =	sld [smem:$0x3FFD];
	_ =	sdelay $0x3  }
0x96: {  	_ =	strace s3  }
0x97: {  	_ =	strace $0x8FFFFFFF  }
0x98: {  	s19 =	sld [smem:$0x3FDB];
	_ =	sdelay $0x1  }
0x99: {  	s4 =	simm.s32 $_scs_section_size  }
0x9a: {  	s5 =	simm.s32 $_size__tile_overlayer_lowered;
	s6 =	simm.s32 $_tile_overlayer_lowered  }
0x9b: {  	s22 =	simm.s32 $0x1BFF;
	s21 =	sshll.u32 s6, $0x1;
	s3 =	sadd.s32 s4, s19  }
0x9c: {  	s7 =	simm.s32 $0x0;
	s20 =	sshll.u32 s5, $0x1;
	s5 =	sadd.s32 s21, s3  }
0x9d: {  	[timem:s7], [sflag:s22] =	dma.local [hbm:s5], s20  }
0x9e: {  	_ =	swait.ge [sflag:s22], s20  }
0x9f: {  	s4 =	ssub.s32 $0x0, s20;
	[sflag:s22] =	ssyncset.done $0x0  }
0xa0: {  	[sflag:s22] =	ssyncadd.s32 s4;
	_ =	sdelay $0x1  }
0xa1: {  	s23 =	simm.s32 $0x1B8B  }
0xa2: {  	_ =	swait.ge [sflag:s23], $0x1  }
0xa3: {  	[sflag:s23] =	ssyncset.done $0x0  }
0xa4: {  	s25 =	simm.s32 $0x1B8E;
	s24 =	sld [smem:$0x3FFE];
	[sflag:s23] =	ssyncadd.s32 $0xFFFFFFFF  }
0xa5: {  	s26 =	simm.s32 $execute0_lowered;
	[smem:$0x3FD2] =	sst s25  }
0xa6: {  	s5 =	sshll.u32 s26, $0x1;
	_ =	strace $0x80000046;
	[dreg:$0x1] =	wrdreg $0xFFFFFFFF  }
0xa7: {  	s28 =	simm.s32 $_size_execute0_lowered;
	s3 =	sadd.s32 s3, s5;
	[dreg:$0x0] =	wrdreg $0x0  }
0xa8: {  	s5 =	sshll.u32 s28, $0x1;
	[dreg:$0x2] =	wrdreg s3  }
0xa9: {  	[dreg:$0x3] =	wrdreg s5  }
0xaa: {  	[dreg:$0x4] =	wrdreg $0xC0  }
0xab: {  	_ =	task [dreg:s7], $0x5FFFF  }
0xac: {  	[dreg:$0x1] =	wrdreg $0xFFFFFFFF  }
0xad: {  	[dreg:$0x0] =	wrdreg $0x60  }
0xae: {  	[dreg:$0x2] =	wrdreg s24  }
0xaf: {  	[dreg:$0x3] =	wrdreg s2  }
0xb0: {  	[dreg:$0x4] =	wrdreg $0x48000  }
0xb1: {  	[dreg:$0x5] =	wrdreg $0x9  }
0xb2: {  	_ =	task.clear_ibuf [dreg:s7], $0x6FFFF;
	_ =	strace $0x90000046  }
0xb3: {  	s29 =	simm.s32 $0x9;
	_ =	strace $0x80000048  }
0xb4: {  	_ =	swait.ge [sflag:s29], $0x1  }
0xb5: {  	[sflag:s29] =	ssyncadd.s32 $0xFFFFFFFF  }
0xb6: {  	_ =	strace $0x90000048  }
0xb7: {  	_ =	sfence  }
0xb8: {  	s30 =	sld [smem:$0x0];
	_ =	sdelay $0x2  }
0xb9: {  	s31 =	sshll.u32 s1, $0xD;
	s1 =	sshrl.u32 s1, $0x2  }
0xba: {  	s3 =	sand.u32 $0x4000, s31;
	s1 =	sadd.s32 s1, s30  }
0xbb: {  	s0 =	sor.u32 s3, s0;
	s1 =	sshll.u32 s1, $0x11  }
0xbc: {  	s0 =	sor.u32 s1, s0  }
0xbd: {  	s0 =	sadd.s32 $0x8F2B, s0  }
0xbe: {  	[sflag:s0] =	ssyncadd.remote.s32 $0x1  }
0xbf: {  	_ =	sfence.sel $0xFFFF  }
0xc0: {  	[dreg:$0x0] =	wrdreg $0xFFFFFFFF;
	(pc) =	sbr.abs _section_cstart, $3  }
0xc1: {  	[dreg:$0x1] =	wrdreg $0xFFFFFFFF  }
0xc2: {  	_ =	task.clear_ibuf [dreg:s7], $0x2FFFF;
	_ =	strace $0x9FFFFFFF  }
0xc3: {  	(tm) =	ssettm $0x7FFFFFFF  }
tec
execute0_lowered:
.L_overlay_start_1:
0x0: {  	(tag) =	ssettag $0x1  }
0x1: {  	s8 =	rddreg [dreg:$0x0]  }
0x2: {  	s1 =	rddreg [dreg:$0x1]  }
0x3: {  	s2 =	rddreg [dreg:$0x2]  }
0x4: {  	s0 =	rddreg [dreg:$0x3]  }
0x5: {  	s3 =	simm.s32 $0x0;
	s4 =	srdreg.scid;
	s9 =	simm.s32 $0x0  }
0x6: {  	s14 =	simm.s32 $0x3;
	s15 =	simm.s32 $0x2000;
	s16 =	simm.s32 $0x1  }
0x7: {  	s17 =	simm.s32 $0x2;
	s19 =	simm.s32 $0x0;
	[smem:$0x7FF] =	sst s3  }
0x8: {  	s5 =	sand.u32 $0x1, s4;
	s4 =	stileid.u32;
	s6 =	sadd.s32 $0xD8800, s8  }
0x9: {  	s8 =	sadd.s32 $0x800, s8;
	_ =	strace $0x80000047;
	s7 =	smul.u32 $0x6C000, s4  }
0xa: {  	v0 =	vlaneseq.u32;
	s11 =	ssub.s32 $0x2, s5;
	p0 =	slt.u32 s4, $0x8;
	s10 =	smul.u32 $0x1B000, s4  }
0xb: {  	v0 =	vmul.u32 $0xD, v0;
	s12 =	sshrl.u32 s11, $0x1;
	s9 =	simm.s32 @!p0 $0xD80000;
	s13 =	sshrl.u32 s7, $0x2  }
0xc: {  	s12 =	ssub.s32 s11, s12;
	s18 =	sadd.s32 s10, s2;
	s11 =	sadd.s32 s13, s2  }
0xd: {  	v1 =	vimm.f32 $0.0e+00;
	v0 =	vor.u32 s10, v0;
	s12 =	smax.u32 s12, $0x1;
	s13 =	simm.s32 $0x4000;
	s18 =	sshrl.u32 s18, $0x3  }
.LBB2_1:
0xe: {  	s20 =	simm.s32 $0x40;
	s21 =	simm.s32 $0x0  }
.LBB2_2:
0xf: {  	p0 =	sne.s32 s20, $0x1FC0;
	[tilespmem:s21+$0x4000] =	vst v1;
	s21 =	smov.u32 s20;
	s20 =	sadd.s32 $0x40, s20  }
.Ltmp0:
0x10: {  	(pc) =	sbr.rel @p0 .LBB2_2-.Ltmp0, $2  }
0x11: {  	_ =	sdelay $0x2  }
0x12: {  	s21 =	sshra.s32 s21, $0x2  }
0x13: {  	[tilespmem:s21+$0x4000] =	vst v1;
	s20 =	simm.s32 $0x0  }
.LBB2_4:
0x14: {  	s21 =	sadd.s32 $0x0, s11  }
0x15: {  	[spmem:s21] =	stream.linear.scatter [tilespmem:s13], [sflag:$0x3], $0x800, $0x38;
	[tilespmem:$0x1F800] =	vst v63  }
0x16: {  	s21 =	simm.s32 $0x2000;
	_ =	swait.ge [sflag:s14], $0x800  }
.LBB2_5:
0x17: {  	s22 =	sshra.s32 s21, $0x2;
	[sflag:s14] =	ssyncset.done $0x0;
	p0 =	sne.s32 s21, $0x6A000  }
.Ltmp1:
0x18: {  	s22 =	sadd.s32 s22, s11;
	[sflag:s14] =	ssyncadd.s32 $0xFFFFF800;
	(pc) =	sbr.rel @p0 .LBB2_5-.Ltmp1, $3  }
0x19: {  	[spmem:s22] =	stream.linear.scatter [tilespmem:s13], [sflag:$0x3], $0x800, $0x38;
	[tilespmem:$0x1F800] =	vst v63  }
0x1a: {  	s21 =	sadd.s32 $0x2000, s21;
	_ =	sdelay $0x1  }
0x1b: {  	_ =	swait.ge [sflag:s14], $0x800  }
0x1c: {  	s21 =	sshll.u32 s20, $0x1  }
0x1d: {  	s21 =	sor.u32 s5, s21  }
0x1e: {  	s21 =	smul.u32 $0x1B0000, s21  }
0x1f: {  	[sflag:s14] =	ssyncset.done $0x0  }
0x20: {  	[sflag:s14] =	ssyncadd.s32 $0xFFFFF800;
	s22 =	ssub.s32 s9, s21  }
0x21: {  	s23 =	simm.s32 $0x0;
	[bflag:$0x0] =	sbarrier.arrive $0xFFFF;
	v2 =	vmov s22;
	s22 =	simm.s32 $0x0  }
.LBB2_7:
0x22: {  	s24 =	sshll.u32 s23, $0xD  }
0x23: {  	s24 =	sadd.s32 s7, s24  }
0x24: {  	s24 =	sshrl.u32 s24, $0x3  }
0x25: {  	s25 =	sadd.s32 s6, s24  }
0x26: {  	[tilespmem:s22], [sflag:$0x1] =	stream.linear.gather [hbm4b:s25+s22], $0x2000, $0x38;
	[tilespmem:$0x1F800] =	vst v63  }
0x27: {  	s24 =	sadd.s32 s8, s24  }
0x28: {  	[tilespmem:s15], [sflag:$0x2] =	stream.linear.gather [hbm4b:s24+s22], $0x2000, $0x38;
	[tilespmem:$0x1F800] =	vst v63  }
0x29: {  	_ =	swait.ge [sflag:s16], $0x2000  }
0x2a: {  	[sflag:s16] =	ssyncset.done $0x0  }
0x2b: {  	[sflag:s16] =	ssyncadd.s32 $0xFFFFE000  }
0x2c: {  	_ =	swait.ge [sflag:s17], $0x2000  }
0x2d: {  	[sflag:s17] =	ssyncset.done $0x0  }
0x2e: {  	s24 =	simm.s32 $0x0;
	[sflag:s17] =	ssyncadd.s32 $0xFFFFE000  }
0x2f: {  	v3 =	vld [tilespmem:s24+$0x0];
	_ =	sdelay $0x4  }
0x30: {  	v4 =	vld [tilespmem:s24+$0x2000];
	v3 =	vadd.s32 v2, v3  }
0x31: {  	vm0 =	vlt.u32 v3, $0x1B0000  }
0x32: {  	v3 =	vsel vm0, v3, v0;
	_ =	sdelay $0x2  }
0x33: {  	s26 =	simm.s32 $0x10;
	s25 =	simm.s32 $0x80;
	v4 =	vnsel vm0, $0x0, v4;
	[tilespmem:s24+$0x0] =	vst v3;
	v3 =	vmov v0  }
.LBB2_8:
0x34: {  	p0 =	sne.s32 s25, $0x7FC0;
	v5 =	vld [tilespmem:s26+$0x0];
	[tilespmem:s24+$0x2000] =	vst v4;
	s24 =	smov.u32 s26;
	_ =	sdelay $0x1  }
0x35: {  	v4 =	vld [tilespmem:s24+$0x2000];
	_ =	sdelay $0x1  }
.Ltmp2:
0x36: {  	(pc) =	sbr.rel @p0 .LBB2_8-.Ltmp2, $4  }
0x37: {  	v5 =	vadd.s32 v2, v5  }
0x38: {  	v3 =	vadd.s32 $0xD0, v3;
	vm0 =	vlt.u32 v5, $0x1B0000  }
0x39: {  	v5 =	vsel vm0, v5, v3;
	v4 =	vnsel vm0, $0x0, v4  }
0x3a: {  	s26 =	sshra.s32 s25, $0x2;
	s25 =	sadd.s32 $0x40, s25;
	[tilespmem:s24+$0x0] =	vst v5  }
0x3b: {  	v5 =	vld [tilespmem:s26+$0x0];
	_ =	sdelay $0x1  }
0x3c: {  	[tilespmem:s24+$0x2000] =	vst v4  }
0x3d: {  	v4 =	vld [tilespmem:s26+$0x2000];
	_ =	sdelay $0x1  }
0x3e: {  	v5 =	vadd.s32 v2, v5  }
0x3f: {  	v3 =	vadd.s32 $0xD0, v3;
	vm0 =	vlt.u32 v5, $0x1B0000  }
0x40: {  	s23 =	sadd.s32 $0x1, s23;
	v3 =	vsel vm0, v5, v3  }
0x41: {  	p0 =	sne.s32 s23, $0x36;
	v4 =	vnsel vm0, $0x0, v4;
	[tilespmem:s26+$0x0] =	vst v3  }
.Ltmp3:
0x42: {  	[tilespmem:s26+$0x2000] =	vst v4;
	(pc) =	sbr.rel @p0 .LBB2_7-.Ltmp3, $4  }
0x43: {  	[spmem:s2] =	stream.indirect.scatter.add.f32 [tilespmem:s15], [sflag:$0x3], $0x1, s3, s15, $0xb8;
	[tilespmem:$0x1F800] =	vst v63  }
0x44: {  	_ =	swait.ge [sflag:s14], $0x2000  }
0x45: {  	[sflag:s14] =	ssyncset.done $0x0  }
0x46: {  	[sflag:s14] =	ssyncadd.s32 $0xFFFFE000  }
0x47: {  	s21 =	sadd.s32 s10, s21;
	s22 =	sshll.u32 s4, $0x6;
	s20 =	sadd.s32 $0x1, s20  }
0x48: {  	[bflag:$0x0] =	sbarrier.arrive $0xFFFF;
	s21 =	sshrl.u32 s21, $0x3;
	p0 =	sne.s32 s20, $0x8  }
.Ltmp4:
0x49: {  	s22 =	sor.u32 $0x1C03, s22;
	s21 =	sadd.s32 s1, s21;
	(pc) =	sbr.rel @p0 .LBB2_4-.Ltmp4, $4  }
0x4a: {  	[hbm:s21], [sflag:s22] =	dma.local [spmem:s18], $0x3600  }
0x4b: {  	_ =	swait.ge [sflag:s14], $0x3600  }
0x4c: {  	[sflag:s14] =	ssyncset.done $0x0  }
0x4d: {  	[sflag:s14] =	ssyncadd.s32 $0xFFFFCA00  }
0x4e: {  	s19 =	sadd.s32 $0x1, s19  }
0x4f: {  	p0 =	sne.s32 s19, s12  }
.Ltmp5:
0x50: {  	_ = 	snop;
	(pc) =	sbr.rel @p0 .LBB2_1-.Ltmp5, $1  }
0x51: {  	_ =	sdelay $0x3  }
0x52: {  	_ =	sfence.sel $0x180000  }
0x53: {  	[bflag:$0x0] =	sbarrier.arrive $0xFFFF  }
0x54: {  	p0 =	sne.s32 s4, $0x0;
	_ =	strace $0x90000047  }
0x55: {  	s0 =	sadd.s32 @!p0 $0x100000, s0;
	[bflag:$0x2] =	sbarrier.arrive $0xFFFF  }
0x56: {  	[sflag:s0] =	ssyncadd.tile.s32 @!p0 $0x1;
	_ =	shalt  }
.Lfunc_end2:
_tile_overlayer_lowered:
.L_overlay_start_2:
0x57: {  	(tag) =	ssettag $0x2  }
0x58: {  	s0 =	rddreg [dreg:$0x0];
	s2 =	stileid.u32  }
0x59: {  	s1 =	rddreg [dreg:$0x1];
	p0 =	sne.s32 s2, $0x0  }
0x5a: {  	s3 =	rddreg [dreg:$0x2];
	[bflag:$0x3] =	sbarrier.arrive $0xFFFF;
	s2 =	simm.s32 @!p0 $0x1C03  }
0x5b: {  	[timem:s3], [sflag:s2] =	dma.local @!p0 [hbm:s0], s1  }
0x5c: {  	s0 =	simm.s32 @!p0 $0x3  }
0x5d: {  	_ =	swait.ge @!p0 [sflag:s0], s1  }
0x5e: {  	s1 =	ssub.s32 @!p0 $0x0, s1;
	[sflag:s0] =	ssyncset.done @!p0 $0x0  }
0x5f: {  	[sflag:s0] =	ssyncadd.s32 @!p0 s1  }
0x60: {  	[bflag:$0x3] =	sbarrier.arrive $0xFFFF  }
0x61: {  	_ =	shalt  }

// kernel: sparse-core-data-format-call.cloned.1.call-start
scs
called_computation_lowered:
.L_overlay_start_0:
0x0: {  	s2 =	sld [smem:$0x3FD9]  }
0x1: {  	s3 =	sld [smem:$0x3FFE];
	_ =	sdelay $0x1  }
0x2: {  	s1 =	srdreg.scid  }
0x3: {  	s0 =	sand.u32 $0x1, s1  }
0x4: {  	s18 =	sshll.u32 s0, $0xA;
	s2 =	sadd.s32 s3, s2  }
0x5: {  	s2 =	sadd.s32 s2, s18  }
0x6: {  	[smem:$0x3FC6] =	sst s2  }
0x7: {  	_ = 	snop  }
0x8: {  	s2 =	sld [smem:$0x3FD0];
	(tm) =	ssettm $0x1  }
0x9: {  	s19 =	sld [smem:$0x3FFB];
	_ =	sdelay $0x3  }
0xa: {  	_ =	strace s19  }
0xb: {  	s3 =	sld [smem:$0x3FFC];
	_ =	sdelay $0x3  }
0xc: {  	_ =	strace s3  }
0xd: {  	s3 =	sld [smem:$0x3FFD];
	_ =	sdelay $0x3  }
0xe: {  	_ =	strace s3  }
0xf: {  	_ =	strace $0x8FFFFFFF  }
0x10: {  	s20 =	sld [smem:$0x3FDB];
	_ =	sdelay $0x1  }
0x11: {  	s4 =	simm.s32 $_scs_section_size  }
0x12: {  	s5 =	simm.s32 $_size__tile_overlayer_lowered;
	s6 =	simm.s32 $_tile_overlayer_lowered  }
0x13: {  	s23 =	simm.s32 $0x1BFF;
	s22 =	sshll.u32 s6, $0x1;
	s3 =	sadd.s32 s4, s20  }
0x14: {  	s7 =	simm.s32 $0x0;
	s21 =	sshll.u32 s5, $0x1;
	s5 =	sadd.s32 s22, s3  }
0x15: {  	[timem:s7], [sflag:s23] =	dma.local [hbm:s5], s21  }
0x16: {  	_ =	swait.ge [sflag:s23], s21  }
0x17: {  	s4 =	ssub.s32 $0x0, s21;
	[sflag:s23] =	ssyncset.done $0x0  }
0x18: {  	[sflag:s23] =	ssyncadd.s32 s4;
	_ =	sdelay $0x1  }
0x19: {  	s24 =	simm.s32 $0x1B8B  }
0x1a: {  	_ =	swait.ge [sflag:s24], $0x1  }
0x1b: {  	[sflag:s24] =	ssyncset.done $0x0  }
0x1c: {  	s26 =	simm.s32 $0x1B8E;
	s25 =	sld [smem:$0x3FFE];
	[sflag:s24] =	ssyncadd.s32 $0xFFFFFFFF  }
0x1d: {  	s27 =	simm.s32 $execute0_lowered;
	[smem:$0x3FD2] =	sst s26  }
0x1e: {  	s5 =	sshll.u32 s27, $0x1;
	_ =	strace $0x80000049;
	[dreg:$0x1] =	wrdreg $0xFFFFFFFF  }
0x1f: {  	s28 =	simm.s32 $_size_execute0_lowered;
	s3 =	sadd.s32 s3, s5;
	[dreg:$0x0] =	wrdreg $0x0  }
0x20: {  	s5 =	sshll.u32 s28, $0x1;
	[dreg:$0x2] =	wrdreg s3  }
0x21: {  	[dreg:$0x3] =	wrdreg s5  }
0x22: {  	[dreg:$0x4] =	wrdreg $0xC0  }
0x23: {  	_ =	task [dreg:s7], $0x5FFFF  }
0x24: {  	[dreg:$0x1] =	wrdreg $0xFFFFFFFF  }
0x25: {  	[dreg:$0x0] =	wrdreg $0x60  }
0x26: {  	[dreg:$0x2] =	wrdreg s25  }
0x27: {  	[dreg:$0x3] =	wrdreg s2  }
0x28: {  	[dreg:$0x4] =	wrdreg $0x9  }
0x29: {  	_ =	task.clear_ibuf [dreg:s7], $0x5FFFF;
	_ =	strace $0x90000049  }
0x2a: {  	s29 =	simm.s32 $0x9;
	_ =	strace $0x8000004B  }
0x2b: {  	_ =	swait.ge [sflag:s29], $0x1  }
0x2c: {  	[sflag:s29] =	ssyncadd.s32 $0xFFFFFFFF  }
0x2d: {  	_ =	strace $0x9000004B  }
0x2e: {  	_ =	sfence  }
0x2f: {  	s30 =	sld [smem:$0x0];
	_ =	sdelay $0x2  }
0x30: {  	s31 =	sshll.u32 s1, $0xD;
	s1 =	sshrl.u32 s1, $0x2  }
0x31: {  	s3 =	sand.u32 $0x4000, s31;
	s1 =	sadd.s32 s1, s30  }
0x32: {  	s0 =	sor.u32 s3, s0;
	s1 =	sshll.u32 s1, $0x11  }
0x33: {  	s0 =	sor.u32 s1, s0  }
0x34: {  	s0 =	sadd.s32 $0x8F2B, s0  }
0x35: {  	[sflag:s0] =	ssyncadd.remote.s32 $0x1  }
0x36: {  	_ =	sfence.sel $0xFFFF  }
0x37: {  	[dreg:$0x0] =	wrdreg $0xFFFFFFFF;
	(pc) =	sbr.abs _section_cstart, $3  }
0x38: {  	[dreg:$0x1] =	wrdreg $0xFFFFFFFF  }
0x39: {  	_ =	task.clear_ibuf [dreg:s7], $0x2FFFF;
	_ =	strace $0x9FFFFFFF  }
0x3a: {  	(tm) =	ssettm $0x7FFFFFFF  }
0x3b: {  	_ =	shalt  }
tec
execute0_lowered:
.L_overlay_start_1:
0x0: {  	(tag) =	ssettag $0x1  }
0x1: {  	s4 =	rddreg [dreg:$0x0]  }
0x2: {  	s2 =	rddreg [dreg:$0x1]  }
0x3: {  	s1 =	stileid.u32;
	s0 =	rddreg [dreg:$0x2];
	_ =	strace $0x8000004A  }
0x4: {  	s5 =	srdreg.scid;
	s8 =	simm.s32 $0x2;
	s17 =	simm.s32 $0x0  }
0x5: {  	p0 =	por $0x0, $0x0;
	s9 =	simm.s32 $0xC00;
	s18 =	simm.s32 $0x0  }
0x6: {  	s19 =	simm.s32 $0x0;
	s10 =	simm.s32 $0x0;
	s11 =	simm.s32 $0x0  }
0x7: {  	s12 =	simm.s32 $0x0;
	s13 =	simm.s32 $0x0;
	s3 =	sand.u32 $0x1, s1  }
0x8: {  	s16 =	simm.s32 $0x0;
	s5 =	sshll.u32 s5, $0x4;
	s6 =	ssub.s32 $0x2, s3  }
.Ltmp0:
0x9: {  	s7 =	sshrl.u32 s6, $0x1;
	s6 =	sand.u32 $0x1, s6;
	(pc) =	sbr.rel .LBB1_1-.Ltmp0, $4  }
0xa: {  	s4 =	sadd.s32 $0x800, s4;
	s5 =	sand.u32 $0x10, s5;
	s6 =	sadd.s32 s6, s7  }
0xb: {  	s31 =	sor.u32 s1, s5;
	s5 =	simm.s32 $0x1;
	s6 =	smul.u32 $0x48, s6  }
0xc: {  	s15 =	smov.u32 s3;
	s7 =	sshrl.u32 s31, $0x1;
	[sflag:s5] =	ssyncpa.u1 $0x0  }
0xd: {  	[sflag:s8] =	ssyncpa.u1 $0x0;
	s14 =	smov.u32 s7;
	s8 =	sor.u32 $0x1, s6  }
.LBB1_4:
0xe: {  	s25 =	sshll.u32 s10, $0x3  }
0xf: {  	s26 =	sand.u32 $0x7F, s10;
	[tilespmem:s22+$0x2040 ss:$0x81] =	vst.msk $0xffff, v4;
	s25 =	sand.u32 $0xFFFFFC00, s25  }
0x10: {  	s24 =	sshra.s32 s24, $0x2;
	[tilespmem:s22+$0x2850 ss:$0x81] =	vst.msk $0xffff, v3;
	s26 =	sor.u32 s26, s25;
	s25 =	smulhi.u32 $0xAAAAAAAB, s25  }
0x11: {  	p1 =	sgt.s32 s12, $0x1;
	s29 =	sshra.s32 s12, $0x1F;
	[tilespmem:s22+$0x3060 ss:$0x81] =	vst.msk $0xffff, v2;
	s27 =	smulhi.u32 $0xAAAAAAAB, s26  }
0x12: {  	s31 =	sshra.s32 s11, $0x1F;
	[tilespmem:s22+$0x0 ss:$0x81] =	vst.msk $0xffff, v1;
	s22 =	smov.u32 s10;
	s25 =	sshrl.u32 s25, $0x8  }
0x13: {  	s23 =	sadd.s32 s24, s23;
	s30 =	sshrl.u32 s27, $0x8;
	s28 =	smulhi.u32 $0x2AAAAAB, s25  }
0x14: {  	s29 =	sand.u32 s29, s12;
	s27 =	smov.u32 s12;
	s24 =	smul.u32 $0x180, s30  }
0x15: {  	s27 =	simm.s32 @!p1 $0x1;
	p1 =	sgt.s32 s11, $0x17F;
	s30 =	smov.u32 s11  }
0x16: {  	s31 =	sand.u32 s31, s11;
	s29 =	sxor.u32 $0xFFFFFFFF, s29;
	s30 =	simm.s32 @!p1 $0x17F  }
0x17: {  	v5 =	vld [tilespmem:s21+$0xFFFFFFD0];
	s27 =	sadd.s32 s29, s27;
	s28 =	smul.u32 $0x60, s28;
	s31 =	ssub.s32 s30, s31  }
0x18: {  	v58 =	vld [tilespmem:s21+$0xFFFFFFE0];
	p1 =	sgt.s32 s27, $0x0;
	s27 =	ssub.s32 $0x1, s27;
	s30 =	sadd.s32 $0xFFFFFE81, s31  }
0x19: {  	v59 =	vld [tilespmem:s21+$0xFFFFFFF0];
	s29 =	ssub.s32 $0x180, s31;
	s27 =	smul.u32 $0x60, s27;
	p2 =	sgt.s32 s30, $0x0  }
0x1a: {  	v60 =	vld [tilespmem:s21+$0x0];
	s31 =	sshra.s32 s10, $0x1F;
	s29 =	simm.s32 @p2 $0x0;
	p2 =	sgt.s32 s10, $0x100  }
0x1b: {  	v61 =	vld [tilespmem:s21+$0x10];
	[tilespmem:s23+$0x3870 ss:$0x81] =	vst.msk $0xffff, v0;
	s24 =	ssub.s32 s26, s24;
	s30 =	sand.u32 s31, s10;
	s22 =	simm.s32 @!p2 $0x100  }
0x1c: {  	v62 =	vld [tilespmem:s21+$0x20];
	[tilespmem:s23+$0x810 ss:$0x81] =	vst.msk $0xffff, v5;
	s31 =	smul.u32 $0x1B0000, s12;
	s27 =	simm.s32 @p1 $0x0;
	s22 =	ssub.s32 s22, s30  }
0x1d: {  	v63 =	vld [tilespmem:s21+$0xFFFFFFC0];
	[tilespmem:s23+$0x1020 ss:$0x81] =	vst.msk $0xffff, v58;
	s26 =	smul.u32 s29, s27;
	s29 =	ssub.s32 s25, s28;
	s30 =	sadd.s32 $0xFFFFFF00, s22  }
0x1e: {  	[tilespmem:s23+$0x1830 ss:$0x81] =	vst.msk $0xffff, v59;
	s28 =	smul.u32 $0x1200, s11;
	s22 =	ssub.s32 $0x180, s22;
	p1 =	sgt.s32 s30, $0x7F  }
0x1f: {  	[tilespmem:s23+$0x2040 ss:$0x81] =	vst.msk $0xffff, v60;
	s27 =	sadd.s32 s2, s31;
	s21 =	smul.u32 $0x30, s29;
	s22 =	simm.s32 @p1 $0x0  }
0x20: {  	[tilespmem:s23+$0x2850 ss:$0x81] =	vst.msk $0xffff, v61;
	s29 =	sand.u32 $0x7, s24;
	s25 =	sadd.s32 s28, s27;
	s22 =	smul.u32 s22, s26  }
0x21: {  	[tilespmem:s23+$0x3060 ss:$0x81] =	vst.msk $0xffff, v62;
	s24 =	sshrl.u32 s24, $0x3;
	s21 =	sadd.s32 s21, s25;
	s30 =	sshll.u32 s29, $0x12  }
0x22: {  	[tilespmem:s23+$0x0 ss:$0x81] =	vst.msk $0xffff, v63;
	s21 =	sadd.s32 s24, s21;
	s31 =	sor.u32 $0x400, s30;
	s22 =	sand.u32 $0x3FFFFFE0, s22  }
0x23: {  	[hbm4b:s21+s31] =	stream.strided.scatter [tilespmem:s20], [sflag:$0x2], s22, s9, s31, $0x20;
	[tilespmem:$0x10100] =	vst v63  }
.LBB1_5:
0x24: {  	p1 =	slt.u32 s16, $0x2;
	s21 =	smov.u32 s19  }
0x25: {  	p2 =	sgt.s32 @!p1 s19, $0x1;
	s20 =	sshra.s32 @!p1 s19, $0x1F;
	s22 =	sshra.s32 @!p1 s17, $0x1F  }
0x26: {  	p2 =	por !p2, p1;
	s19 =	sand.u32 @!p1 s20, s19;
	s20 =	smov.u32 s18  }
0x27: {  	s21 =	simm.s32 @p2 $0x1;
	s19 =	sxor.u32 @!p1 $0xFFFFFFFF, s19;
	p2 =	sgt.s32 @!p1 s18, $0x17F  }
0x28: {  	s19 =	sadd.s32 @!p1 s19, s21;
	p3 =	por !p2, p1;
	s21 =	sshra.s32 @!p1 s18, $0x1F  }
0x29: {  	p2 =	sgt.s32 @!p1 s19, $0x0;
	s20 =	simm.s32 @p3 $0x17F;
	s18 =	sand.u32 @!p1 s21, s18  }
0x2a: {  	s19 =	ssub.s32 @!p1 $0x1, s19;
	p3 =	sgt.s32 @!p1 s17, $0x100;
	s21 =	smov.u32 s17  }
0x2b: {  	s17 =	sand.u32 @!p1 s22, s17;
	s18 =	ssub.s32 @!p1 s20, s18;
	p3 =	por !p3, p1  }
0x2c: {  	s19 =	smul.u32 @!p1 $0x60, s19;
	s20 =	sadd.s32 @!p1 $0xFFFFFE81, s18;
	s21 =	simm.s32 @p3 $0x100  }
0x2d: {  	p2 =	por !p2, p1;
	p3 =	sgt.s32 @!p1 s20, $0x0;
	s17 =	ssub.s32 @!p1 s21, s17  }
0x2e: {  	s18 =	ssub.s32 @!p1 $0x180, s18;
	p3 =	por !p3, p1;
	s20 =	sadd.s32 @!p1 $0xFFFFFF00, s17  }
0x2f: {  	s19 =	simm.s32 @!p2 $0x0;
	s18 =	simm.s32 @!p3 $0x0;
	p3 =	sgt.s32 @!p1 s20, $0x7F  }
0x30: {  	s17 =	ssub.s32 @!p1 $0x180, s17;
	p2 =	por !p3, p1;
	s18 =	smul.u32 @!p1 s18, s19  }
0x31: {  	s21 =	smov.u32 s14;
	s20 =	sadd.s32 $0x80, s13;
	s17 =	simm.s32 @!p2 $0x0  }
0x32: {  	p2 =	sgt.s32 s20, $0x17F;
	s17 =	smul.u32 @!p1 s17, s18;
	s18 =	sadd.s32 $0x10, s14  }
0x33: {  	s21 =	smov.u32 @p2 s18  }
0x34: {  	s23 =	smov.u32 s15;
	s18 =	sadd.s32 $0x2, s15;
	p3 =	sgt.s32 s21, $0x17F  }
0x35: {  	p0 =	por !p0, !p0;
	s22 =	simm.s32 @!p1 $0x2;
	s23 =	smov.u32 @p3 s18  }
0x36: {  	s19 =	smov.u32 s12;
	s20 =	simm.s32 @p2 $0x0;
	p2 =	sgt.s32 s23, $0x1  }
0x37: {  	s17 =	sand.u32 @!p1 $0x3FFFFFE0, s17;
	s23 =	smov.u32 @p2 s3;
	p2 =	sne.s32 s16, s8  }
.Ltmp1:
0x38: {  	s12 =	smov.u32 s15;
	_ =	swait.ge @!p1 [sflag:s22], s17;
	(pc) =	sbr.rel @!p2 .LBB1_6-.Ltmp1, $4  }
0x39: {  	s24 =	ssub.s32 @!p1 $0x0, s17;
	s21 =	smov.u32 @p3 s7;
	s17 =	smov.u32 s10  }
0x3a: {  	s18 =	smov.u32 s11;
	s10 =	smov.u32 s13;
	s11 =	smov.u32 s14  }
0x3b: {  	s13 =	smov.u32 s20;
	[sflag:s22] =	ssyncset.done @!p1 $0x0;
	s14 =	smov.u32 s21  }
0x3c: {  	s16 =	sadd.s32 $0x1, s16;
	[sflag:s22] =	ssyncadd.s32 @!p1 s24;
	s15 =	smov.u32 s23  }
.LBB1_1:
0x3d: {  	p1 =	sge.u32 s16, s6  }
0x3e: {  	s20 =	sand.u32 @!p1 $0x1FFFFFF, s13  }
0x3f: {  	s21 =	smulhi.u32 @!p1 $0xAAAAAB, s20  }
0x40: {  	s22 =	smul.u32 @!p1 $0x240000, s15  }
0x41: {  	s21 =	smul.u32 @!p1 $0x180, s21  }
0x42: {  	s31 =	sadd.s32 $0xFFFFFFFF, s16;
	s23 =	smul.u32 @!p1 $0x1800, s14  }
0x43: {  	s22 =	sadd.s32 @!p1 s4, s22;
	s20 =	ssub.s32 @!p1 s20, s21;
	s21 =	sxor.u32 @!p1 $0xFFFFFFFF, s16  }
0x44: {  	s22 =	sadd.s32 @!p1 s23, s22;
	s21 =	sshll.u32 @!p1 s21, $0xE;
	s20 =	sshll.u32 @!p1 s20, $0x4  }
0x45: {  	s21 =	sand.u32 @!p1 $0x4000, s21;
	s20 =	sadd.s32 @!p1 s20, s22;
	s22 =	simm.s32 @!p1 $0x0  }
0x46: {  	[tilespmem:s21], [sflag:$0x1] =	stream.linear.gather @!p1 [hbm4b:s20+s22], $0x4000, $0x38;
	[tilespmem:$0x10100] =	vst v63  }
0x47: {  	p1 =	sge.u32 s31, s6  }
.Ltmp2:
0x48: {  	_ = 	snop;
	(pc) =	sbr.rel @p1 .LBB1_5-.Ltmp2, $1  }
0x49: {  	_ =	sdelay $0x3  }
0x4a: {  	s20 =	simm.s32 $0x1  }
0x4b: {  	_ =	swait.ge [sflag:s5], $0x4000;
	s20 =	simm.s32 @!p0 $0x0  }
0x4c: {  	[sflag:s5] =	ssyncset.done $0x0;
	s21 =	sshll.u32 s20, $0xE  }
0x4d: {  	[sflag:s5] =	ssyncadd.s32 $0xFFFFC000;
	s21 =	sor.u32 $0x40, s21  }
0x4e: {  	s20 =	smul.u32 $0x10200, s20;
	v0 =	vld [tilespmem:s21+$0x30]  }
0x4f: {  	v1 =	vld [tilespmem:s21+$0xFFFFFFD0]  }
0x50: {  	s20 =	sshrl.u32 s20, $0x2;
	v5 =	vld [tilespmem:s21+$0xFFFFFFE0]  }
0x51: {  	v6 =	vld [tilespmem:s21+$0xFFFFFFF0];
	s23 =	sor.u32 $0x8000, s20  }
0x52: {  	s31 =	sand.u32 $0x1, s16;
	v4 =	vld [tilespmem:s21+$0x0];
	s22 =	sadd.s32 $0x0, s23  }
0x53: {  	v3 =	vld [tilespmem:s21+$0x10];
	s20 =	smul.u32 $0x10200, s31;
	[tilespmem:s22+$0x3870 ss:$0x81] =	vst.msk $0xffff, v0  }
0x54: {  	v2 =	vld [tilespmem:s21+$0x20];
	[tilespmem:s22+$0x810 ss:$0x81] =	vst.msk $0xffff, v1  }
0x55: {  	s20 =	sshrl.u32 s20, $0x2;
	v1 =	vld [tilespmem:s21+$0xFFFFFFC0];
	[tilespmem:s22+$0x1020 ss:$0x81] =	vst.msk $0xffff, v5;
	s21 =	sadd.s32 $0x80, s21  }
0x56: {  	s24 =	simm.s32 $0x4;
	s25 =	simm.s32 $0x8;
	s20 =	sor.u32 $0x8000, s20;
	[tilespmem:s22+$0x1830 ss:$0x81] =	vst.msk $0xffff, v6;
	v0 =	vld [tilespmem:s21+$0x30]  }
.LBB1_3:
0x57: {  	p1 =	sne.s32 s25, $0x1FC;
	v5 =	vld [tilespmem:s21+$0xFFFFFFD0];
	[tilespmem:s22+$0x2040 ss:$0x81] =	vst.msk $0xffff, v4  }
0x58: {  	v6 =	vld [tilespmem:s21+$0xFFFFFFE0];
	[tilespmem:s22+$0x2850 ss:$0x81] =	vst.msk $0xffff, v3  }
0x59: {  	s26 =	sshra.s32 s24, $0x2;
	s24 =	smov.u32 s25;
	v7 =	vld [tilespmem:s21+$0xFFFFFFF0];
	[tilespmem:s22+$0x3060 ss:$0x81] =	vst.msk $0xffff, v2  }
.Ltmp3:
0x5a: {  	v4 =	vld [tilespmem:s21+$0x0];
	[tilespmem:s22+$0x0 ss:$0x81] =	vst.msk $0xffff, v1;
	s22 =	sadd.s32 s26, s23;
	(pc) =	sbr.rel @p1 .LBB1_3-.Ltmp3, $4  }
0x5b: {  	v3 =	vld [tilespmem:s21+$0x10];
	[tilespmem:s22+$0x3870 ss:$0x81] =	vst.msk $0xffff, v0  }
0x5c: {  	[tilespmem:s22+$0x810 ss:$0x81] =	vst.msk $0xffff, v5;
	v2 =	vld [tilespmem:s21+$0x20]  }
0x5d: {  	v1 =	vld [tilespmem:s21+$0xFFFFFFC0];
	[tilespmem:s22+$0x1020 ss:$0x81] =	vst.msk $0xffff, v6;
	s21 =	sadd.s32 $0x80, s21  }
0x5e: {  	s25 =	sadd.s32 $0x4, s25;
	v0 =	vld [tilespmem:s21+$0x30];
	[tilespmem:s22+$0x1830 ss:$0x81] =	vst.msk $0xffff, v7  }
.Ltmp4:
0x5f: {  	_ = 	snop;
	(pc) =	sbr.rel .LBB1_4-.Ltmp4, $1  }
0x60: {  	_ =	sdelay $0x3  }
.LBB1_6:
0x61: {  	_ =	sfence.sel $0x180000  }
0x62: {  	s2 =	simm.s32 $0x1;
	[bflag:$0x0] =	sbarrier.arrive $0xFFFF  }
0x63: {  	s31 =	simm.s32 $0x2;
	[sflag:s2] =	ssyncpa.u1 $0x1  }
0x64: {  	[sflag:s31] =	ssyncpa.u1 $0x1  }
0x65: {  	p0 =	sne.s32 s1, $0x0;
	_ =	strace $0x9000004A  }
0x66: {  	s0 =	sadd.s32 @!p0 $0x100000, s0;
	[bflag:$0x2] =	sbarrier.arrive $0xFFFF  }
0x67: {  	[sflag:s0] =	ssyncadd.tile.s32 @!p0 $0x1;
	_ =	shalt  }
.Lfunc_end1:
_tile_overlayer_lowered:
.L_overlay_start_2:
0x68: {  	(tag) =	ssettag $0x2  }
0x69: {  	s0 =	rddreg [dreg:$0x0];
	s2 =	stileid.u32  }
0x6a: {  	s1 =	rddreg [dreg:$0x1];
	p0 =	sne.s32 s2, $0x0  }
0x6b: {  	s3 =	rddreg [dreg:$0x2];
	[bflag:$0x3] =	sbarrier.arrive $0xFFFF;
	s2 =	simm.s32 @!p0 $0x1C01  }
0x6c: {  	[timem:s3], [sflag:s2] =	dma.local @!p0 [hbm:s0], s1  }
0x6d: {  	s0 =	simm.s32 @!p0 $0x1  }
0x6e: {  	_ =	swait.ge @!p0 [sflag:s0], s1  }
0x6f: {  	s1 =	ssub.s32 @!p0 $0x0, s1;
	[sflag:s0] =	ssyncset.done @!p0 $0x0  }
0x70: {  	[sflag:s0] =	ssyncadd.s32 @!p0 s1  }
0x71: {  	[bflag:$0x3] =	sbarrier.arrive $0xFFFF  }
0x72: {  	_ =	shalt  }

</sc_bundles>
